<compile_context>
chip_gen: v7x
topology: tpu7x:2x2x1
jax: 0.10.2.dev20260603
libtpu: 0.0.44.dev20260713+nightly
codegen_flags: <defaults>
</compile_context>

<pallas_src>
import jax
import jax.numpy as jnp
from jax import lax
from jax.experimental import pallas as pl
from jax.experimental.pallas import tpu as pltpu
from jax.experimental.pallas import tpu_sc as plsc

NC, NS = 2, 16
NW = NC * NS
D = 1024
C = 16


def _pe_add(x2, ids3, weight, *, n_rows, steps):
    mesh = plsc.VectorSubcoreMesh(core_axis_name="c", subcore_axis_name="s")

    @pl.kernel(
        mesh=mesh,
        out_type=jax.ShapeDtypeStruct((n_rows, D), jnp.float32),
        scratch_types=[
            pltpu.VMEM((steps, C), jnp.int32),
            [pltpu.VMEM((C, D), jnp.float32)] * 2,
            [pltpu.VMEM((C, D), jnp.float32)] * 2,
            [pltpu.VMEM((C, D), jnp.float32)] * 2,
            [pltpu.SemaphoreType.DMA] * 2,
            [pltpu.SemaphoreType.DMA] * 2,
            [pltpu.SemaphoreType.DMA] * 2,
        ],
    )
    def k(x_hbm, ids_hbm, w_hbm, out_hbm, idx_v, bufx, bufw, bufo,
          semx, semw, semo):
        wid = lax.axis_index("s") * NC + lax.axis_index("c")
        base = wid * (steps * C)

        pltpu.sync_copy(ids_hbm.at[wid], idx_v)

        def start_in(j, s):
            r0 = base + j * C
            pltpu.async_copy(x_hbm.at[pl.ds(r0, C)], bufx[s], semx[s])
            pltpu.async_copy(w_hbm.at[idx_v.at[j]], bufw[s], semw[s])

        def wait_out(s):
            pltpu.make_async_copy(bufo[s], out_hbm.at[pl.ds(0, C)],
                                  semo[s]).wait()

        start_in(0, 0)

        def outer(g, _):
            for p in (0, 1):
                j = g * 2 + p
                q = 1 - p
                pl.when(j + 1 < steps)(lambda: start_in(j + 1, q))
                pltpu.make_async_copy(x_hbm.at[pl.ds(0, C)], bufx[p],
                                      semx[p]).wait()
                pltpu.make_async_copy(w_hbm.at[pl.ds(0, C)], bufw[p],
                                      semw[p]).wait()
                pl.when(j >= 2)(lambda: wait_out(p))

                @plsc.parallel_loop(0, C * (D // 16), unroll=8)
                def _add(i):
                    r = i >> 6
                    col = (i & (D // 16 - 1)) * 16
                    bufo[p][r, pl.ds(col, 16)] = (
                        bufx[p][r, pl.ds(col, 16)] + bufw[p][r, pl.ds(col, 16)]
                    )

                pltpu.async_copy(bufo[p], out_hbm.at[pl.ds(base + j * C, C)],
                                 semo[p])
            return 0

        lax.fori_loop(0, steps // 2, outer, 0)
        wait_out(0)
        wait_out(1)

    return k(x2, ids3, weight)


def kernel(x, position_ids, weight):
    b, s, d = x.shape
    n_rows = b * s
    steps = n_rows // (NW * C)
    x2 = x.reshape(n_rows, d)
    ids3 = position_ids.reshape(NW, steps, C).astype(jnp.int32)
    out = _pe_add(x2, ids3, weight, n_rows=n_rows, steps=steps)
    return out.reshape(b, s, d)

# --- scband reference (transcript-rebuilt; emitter-appended) ---
"""Pipeline reference for scband-sinusoidal-pe-60842506715717 (READ-ONLY COPY).

The authoritative reference and input builder live on the scoring server;
editing this copy changes nothing except your own understanding.
"""

import jax, jax.numpy as jnp
import numpy as np
import math

D_MODEL = 1024
MAX_SEQ = 8192
BATCH = 4
SEQ = 8192

def _build_pe_table():
    position = np.arange(0, MAX_SEQ, dtype=np.float32)[:, None]
    div_term = np.exp(np.arange(0, D_MODEL, 2).astype(np.float32) * (-math.log(10000.0) / D_MODEL))
    w = np.zeros((MAX_SEQ, D_MODEL), dtype=np.float32)
    w[:, 0::2] = np.sin(position * div_term)
    w[:, 1::2] = np.cos(position * div_term)
    return jnp.asarray(w)

def setup_inputs(seed: int = 0) -> dict:
    key = jax.random.key(seed)
    k1, k2 = jax.random.split(key)
    x = jax.random.normal(k1, (BATCH, SEQ, D_MODEL), dtype=jnp.float32)
    position_ids = jax.random.randint(k2, (BATCH, SEQ), 0, MAX_SEQ, dtype=jnp.int64 if jax.config.read('jax_enable_x64') else jnp.int32)
    weight = _build_pe_table()
    return {"x": x, "position_ids": position_ids, "weight": weight}

def reference(x, position_ids, weight):
    # faithful to: x + self.weight[position_ids]
    pe = jnp.take(weight, position_ids, axis=0)  # gather: [B, S, d_model]
    return x + pe

if __name__ == "__main__":
    import jax
    _d = setup_inputs()
    print(jax.jit(kernel)(*tuple(_d.values())))

</pallas_src>

<mosaic_0001>
#map = affine_map<(d0, d1) -> (0, 0)>
#map1 = affine_map<(d0, d1) -> (0, 0, 0)>
module attributes {stable_mosaic.version = 14 : i64} {
  func.func @k(%arg0: i32, %arg1: i32, %arg2: memref<32768x1024xf32, #tpu.memory_space<hbm>>, %arg3: memref<32x64x16xi32, #tpu.memory_space<hbm>>, %arg4: memref<8192x1024xf32, #tpu.memory_space<hbm>>, %arg5: memref<32768x1024xf32, #tpu.memory_space<hbm>>, %arg6: memref<64x16xi32, #tpu.memory_space<vmem>>, %arg7: memref<16x1024xf32, #tpu.memory_space<vmem>>, %arg8: memref<16x1024xf32, #tpu.memory_space<vmem>>, %arg9: memref<16x1024xf32, #tpu.memory_space<vmem>>, %arg10: memref<16x1024xf32, #tpu.memory_space<vmem>>, %arg11: memref<16x1024xf32, #tpu.memory_space<vmem>>, %arg12: memref<16x1024xf32, #tpu.memory_space<vmem>>, %arg13: memref<!tpu.dma_semaphore, #tpu.memory_space<semaphore_mem>>, %arg14: memref<!tpu.dma_semaphore, #tpu.memory_space<semaphore_mem>>, %arg15: memref<!tpu.dma_semaphore, #tpu.memory_space<semaphore_mem>>, %arg16: memref<!tpu.dma_semaphore, #tpu.memory_space<semaphore_mem>>, %arg17: memref<!tpu.dma_semaphore, #tpu.memory_space<semaphore_mem>>, %arg18: memref<!tpu.dma_semaphore, #tpu.memory_space<semaphore_mem>>) attributes {dimension_semantics = [#tpu.dimension_semantics<core_parallel>, #tpu.dimension_semantics<subcore_parallel>], iteration_bounds = array<i64: 2, 16>, scalar_prefetch = 0 : i64, scratch_operands = 13 : i64, tpu.core_type = #tpu.core_type<sc_vector_subcore>, window_params = [{transform_indices = #map}, {transform_indices = #map1}, {transform_indices = #map}, {transform_indices = #map}]} {
    %mul3A = arith.constant 2 : i32
    %mul3A_0 = arith.muli %arg1, %mul3A : i32
    %add3A = arith.addi %mul3A_0, %arg0 : i32
    %mul3A_1 = arith.constant 1024 : i32
    %mul3A_2 = arith.muli %add3A, %mul3A_1 : i32
    "tpu.region"() ({
      %run_scoped3A = tpu.sem_alloc : memref<!tpu.dma_semaphore, #tpu.memory_space<semaphore_mem>>
      %dma_start3A_32 = arith.constant 0 : i32
      %dma_start3A_33 = arith.constant 0 : i32
      %dma_start3A_34 = tpu.memref_slice %arg3[%add3A, %dma_start3A_32, %dma_start3A_33] : memref<32x64x16xi32, #tpu.memory_space<hbm>> -> memref<1x64x16xi32, #tpu.memory_space<hbm>>
      %dma_start3A_35 = tpu.memref_squeeze %dma_start3A_34 : memref<1x64x16xi32, #tpu.memory_space<hbm>> -> memref<64x16xi32, #tpu.memory_space<hbm>>
      %dma_start3A_36 = arith.constant 0 : i32
      %dma_start3A_37 = arith.constant 0 : i32
      %dma_start3A_38 = tpu.memref_slice %arg3[%add3A, %dma_start3A_36, %dma_start3A_37] : memref<32x64x16xi32, #tpu.memory_space<hbm>> -> memref<1x64x16xi32, #tpu.memory_space<hbm>>
      %dma_start3A_39 = tpu.memref_squeeze %dma_start3A_38 : memref<1x64x16xi32, #tpu.memory_space<hbm>> -> memref<64x16xi32, #tpu.memory_space<hbm>>
      tpu.enqueue_dma source(%dma_start3A_39 : memref<64x16xi32, #tpu.memory_space<hbm>>) target(%arg6 : memref<64x16xi32, #tpu.memory_space<vmem>>) target_semaphore(%run_scoped3A : memref<!tpu.dma_semaphore, #tpu.memory_space<semaphore_mem>>)
      %dma_wait3A_40 = arith.constant 0 : i32
      %dma_wait3A_41 = arith.constant 0 : i32
      %dma_wait3A_42 = tpu.memref_slice %arg3[%add3A, %dma_wait3A_40, %dma_wait3A_41] : memref<32x64x16xi32, #tpu.memory_space<hbm>> -> memref<1x64x16xi32, #tpu.memory_space<hbm>>
      %dma_wait3A_43 = tpu.memref_squeeze %dma_wait3A_42 : memref<1x64x16xi32, #tpu.memory_space<hbm>> -> memref<64x16xi32, #tpu.memory_space<hbm>>
      %dma_wait3A_44 = arith.constant 0 : i32
      %dma_wait3A_45 = arith.constant 0 : i32
      %dma_wait3A_46 = tpu.memref_slice %arg3[%add3A, %dma_wait3A_44, %dma_wait3A_45] : memref<32x64x16xi32, #tpu.memory_space<hbm>> -> memref<1x64x16xi32, #tpu.memory_space<hbm>>
      %dma_wait3A_47 = tpu.memref_squeeze %dma_wait3A_46 : memref<1x64x16xi32, #tpu.memory_space<hbm>> -> memref<64x16xi32, #tpu.memory_space<hbm>>
      tpu.wait_dma2 semaphore(%run_scoped3A : memref<!tpu.dma_semaphore, #tpu.memory_space<semaphore_mem>>) src(%dma_wait3A_47 : memref<64x16xi32, #tpu.memory_space<hbm>>) dst(%arg6 : memref<64x16xi32, #tpu.memory_space<vmem>>)
      tpu.yield
    }) : () -> ()
    %add3A_3 = arith.constant 0 : i32
    %add3A_4 = arith.addi %mul3A_2, %add3A_3 : i32
    %dma_start3A = arith.constant 0 : i32
    %dma_start3A_5 = tpu.memref_slice %arg2[%add3A_4, %dma_start3A] : memref<32768x1024xf32, #tpu.memory_space<hbm>> -> memref<16x1024xf32, #tpu.memory_space<hbm>>
    %dma_start3A_6 = arith.constant 0 : i32
    %dma_start3A_7 = tpu.memref_slice %arg2[%add3A_4, %dma_start3A_6] : memref<32768x1024xf32, #tpu.memory_space<hbm>> -> memref<16x1024xf32, #tpu.memory_space<hbm>>
    tpu.enqueue_dma source(%dma_start3A_7 : memref<16x1024xf32, #tpu.memory_space<hbm>>) target(%arg7 : memref<16x1024xf32, #tpu.memory_space<vmem>>) target_semaphore(%arg13 : memref<!tpu.dma_semaphore, #tpu.memory_space<semaphore_mem>>)
    %dma_start3A_8 = arith.constant 0 : i32
    %dma_start3A_9 = arith.constant 0 : i32
    %dma_start3A_10 = tpu.memref_slice %arg6[%dma_start3A_8, %dma_start3A_9] : memref<64x16xi32, #tpu.memory_space<vmem>> -> memref<1x16xi32, #tpu.memory_space<vmem>>
    %dma_start3A_11 = tpu.memref_squeeze %dma_start3A_10 : memref<1x16xi32, #tpu.memory_space<vmem>> -> memref<16xi32, #tpu.memory_space<vmem>>
    %dma_start3A_12 = arith.constant 0 : i32
    %dma_start3A_13 = arith.constant 0 : i32
    %dma_start3A_14 = tpu.memref_slice %arg4[%dma_start3A_12, %dma_start3A_13] : memref<8192x1024xf32, #tpu.memory_space<hbm>> -> memref<8192x1024xf32, #tpu.memory_space<hbm>>
    tpu.enqueue_indirect_dma source(%dma_start3A_14 : memref<8192x1024xf32, #tpu.memory_space<hbm>>) target(%arg9 : memref<16x1024xf32, #tpu.memory_space<vmem>>) offsets(%dma_start3A_11 : memref<16xi32, #tpu.memory_space<vmem>>) semaphore(%arg15 : memref<!tpu.dma_semaphore, #tpu.memory_space<semaphore_mem>>)
    %scan3A = arith.constant 0 : i32
    %scan3A_15 = arith.constant 0 : i32
    %scan3A_16 = arith.constant 32 : i32
    %scan3A_17 = arith.addi %scan3A_15, %scan3A_16 : i32
    %scan3A_18 = arith.constant 1 : i32
    %scan3A_19 = scf.for %scan3A_32 = %scan3A_15 to %scan3A_17 step %scan3A_18 iter_args(%scan3A_33 = %scan3A) -> (i32)  : i32 {
      %mul3A_34 = arith.constant 2 : i32
      %mul3A_35 = arith.muli %scan3A_32, %mul3A_34 : i32
      %add3A_36 = arith.constant 0 : i32
      %add3A_37 = arith.addi %mul3A_35, %add3A_36 : i32
      %add3A_38 = arith.constant 1 : i32
      %add3A_39 = arith.addi %add3A_37, %add3A_38 : i32
      %lt3A = arith.constant 64 : i32
      %lt3A_40 = arith.cmpi slt, %add3A_39, %lt3A : i32
      %convert_element_type3A = arith.extui %lt3A_40 : i1 to i32
      %cond3A = arith.constant 0 : i32
      %cond3A_41 = arith.cmpi ne, %convert_element_type3A, %cond3A : i32
      scf.if %cond3A_41 {
        %add3A_106 = arith.constant 1 : i32
        %add3A_107 = arith.addi %add3A_37, %add3A_106 : i32
        %mul3A_108 = arith.constant 16 : i32
        %mul3A_109 = arith.muli %add3A_107, %mul3A_108 : i32
        %add3A_110 = arith.addi %mul3A_2, %mul3A_109 : i32
        %dma_start3A_111 = arith.constant 0 : i32
        %dma_start3A_112 = tpu.memref_slice %arg2[%add3A_110, %dma_start3A_111] : memref<32768x1024xf32, #tpu.memory_space<hbm>> -> memref<16x1024xf32, #tpu.memory_space<hbm>>
        %dma_start3A_113 = arith.constant 0 : i32
        %dma_start3A_114 = tpu.memref_slice %arg2[%add3A_110, %dma_start3A_113] : memref<32768x1024xf32, #tpu.memory_space<hbm>> -> memref<16x1024xf32, #tpu.memory_space<hbm>>
        tpu.enqueue_dma source(%dma_start3A_114 : memref<16x1024xf32, #tpu.memory_space<hbm>>) target(%arg8 : memref<16x1024xf32, #tpu.memory_space<vmem>>) target_semaphore(%arg14 : memref<!tpu.dma_semaphore, #tpu.memory_space<semaphore_mem>>)
        %dma_start3A_115 = arith.constant 0 : i32
        %dma_start3A_116 = tpu.memref_slice %arg6[%add3A_107, %dma_start3A_115] : memref<64x16xi32, #tpu.memory_space<vmem>> -> memref<1x16xi32, #tpu.memory_space<vmem>>
        %dma_start3A_117 = tpu.memref_squeeze %dma_start3A_116 : memref<1x16xi32, #tpu.memory_space<vmem>> -> memref<16xi32, #tpu.memory_space<vmem>>
        %dma_start3A_118 = arith.constant 0 : i32
        %dma_start3A_119 = arith.constant 0 : i32
        %dma_start3A_120 = tpu.memref_slice %arg4[%dma_start3A_118, %dma_start3A_119] : memref<8192x1024xf32, #tpu.memory_space<hbm>> -> memref<8192x1024xf32, #tpu.memory_space<hbm>>
        tpu.enqueue_indirect_dma source(%dma_start3A_120 : memref<8192x1024xf32, #tpu.memory_space<hbm>>) target(%arg10 : memref<16x1024xf32, #tpu.memory_space<vmem>>) offsets(%dma_start3A_117 : memref<16xi32, #tpu.memory_space<vmem>>) semaphore(%arg16 : memref<!tpu.dma_semaphore, #tpu.memory_space<semaphore_mem>>)
      } else {
      }
      %dma_wait3A_42 = arith.constant 0 : i32
      %dma_wait3A_43 = arith.constant 0 : i32
      %dma_wait3A_44 = tpu.memref_slice %arg2[%dma_wait3A_42, %dma_wait3A_43] : memref<32768x1024xf32, #tpu.memory_space<hbm>> -> memref<16x1024xf32, #tpu.memory_space<hbm>>
      %dma_wait3A_45 = arith.constant 0 : i32
      %dma_wait3A_46 = arith.constant 0 : i32
      %dma_wait3A_47 = tpu.memref_slice %arg2[%dma_wait3A_45, %dma_wait3A_46] : memref<32768x1024xf32, #tpu.memory_space<hbm>> -> memref<16x1024xf32, #tpu.memory_space<hbm>>
      tpu.wait_dma2 semaphore(%arg13 : memref<!tpu.dma_semaphore, #tpu.memory_space<semaphore_mem>>) src(%dma_wait3A_47 : memref<16x1024xf32, #tpu.memory_space<hbm>>) dst(%arg7 : memref<16x1024xf32, #tpu.memory_space<vmem>>)
      %dma_wait3A_48 = arith.constant 0 : i32
      %dma_wait3A_49 = arith.constant 0 : i32
      %dma_wait3A_50 = tpu.memref_slice %arg4[%dma_wait3A_48, %dma_wait3A_49] : memref<8192x1024xf32, #tpu.memory_space<hbm>> -> memref<16x1024xf32, #tpu.memory_space<hbm>>
      %dma_wait3A_51 = arith.constant 0 : i32
      %dma_wait3A_52 = arith.constant 0 : i32
      %dma_wait3A_53 = tpu.memref_slice %arg4[%dma_wait3A_51, %dma_wait3A_52] : memref<8192x1024xf32, #tpu.memory_space<hbm>> -> memref<16x1024xf32, #tpu.memory_space<hbm>>
      tpu.wait_dma2 semaphore(%arg15 : memref<!tpu.dma_semaphore, #tpu.memory_space<semaphore_mem>>) src(%dma_wait3A_53 : memref<16x1024xf32, #tpu.memory_space<hbm>>) dst(%arg9 : memref<16x1024xf32, #tpu.memory_space<vmem>>)
      %ge3A = arith.constant 2 : i32
      %ge3A_54 = arith.cmpi sge, %add3A_37, %ge3A : i32
      %convert_element_type3A_55 = arith.extui %ge3A_54 : i1 to i32
      %cond3A_56 = arith.constant 0 : i32
      %cond3A_57 = arith.cmpi ne, %convert_element_type3A_55, %cond3A_56 : i32
      scf.if %cond3A_57 {
        %dma_wait3A_106 = arith.constant 0 : i32
        %dma_wait3A_107 = arith.constant 0 : i32
        %dma_wait3A_108 = tpu.memref_slice %arg5[%dma_wait3A_106, %dma_wait3A_107] : memref<32768x1024xf32, #tpu.memory_space<hbm>> -> memref<16x1024xf32, #tpu.memory_space<hbm>>
        %dma_wait3A_109 = arith.constant 0 : i32
        %dma_wait3A_110 = arith.constant 0 : i32
        %dma_wait3A_111 = tpu.memref_slice %arg5[%dma_wait3A_109, %dma_wait3A_110] : memref<32768x1024xf32, #tpu.memory_space<hbm>> -> memref<16x1024xf32, #tpu.memory_space<hbm>>
        tpu.wait_dma2 semaphore(%arg17 : memref<!tpu.dma_semaphore, #tpu.memory_space<semaphore_mem>>) src(%arg11 : memref<16x1024xf32, #tpu.memory_space<vmem>>) dst(%dma_wait3A_111 : memref<16x1024xf32, #tpu.memory_space<hbm>>)
      } else {
      }
      %parallel_loop3A = arith.constant 0 : i32
      %parallel_loop3A_58 = arith.constant 1024 : i32
      %parallel_loop3A_59 = arith.constant 1 : i32
      scf.for %parallel_loop3A_106 = %parallel_loop3A to %parallel_loop3A_58 step %parallel_loop3A_59  : i32 {
        %parallel_loop3A_107 = arith.constant 6 : i32
        %parallel_loop3A_108 = arith.shrsi %parallel_loop3A_106, %parallel_loop3A_107 : i32
        %parallel_loop3A_109 = arith.constant 63 : i32
        %parallel_loop3A_110 = arith.andi %parallel_loop3A_106, %parallel_loop3A_109 : i32
        %parallel_loop3A_111 = arith.constant 16 : i32
        %parallel_loop3A_112 = arith.muli %parallel_loop3A_110, %parallel_loop3A_111 : i32
        %parallel_loop3A_113 = arith.index_cast %parallel_loop3A_108 : i32 to index
        %parallel_loop3A_114 = arith.index_cast %parallel_loop3A_112 : i32 to index
        %parallel_loop3A_115 = tpu.vector_load %arg7[%parallel_loop3A_113, %parallel_loop3A_114] {strides = array<i32>} : memref<16x1024xf32, #tpu.memory_space<vmem>>, vector<1x16xf32>,
        %parallel_loop3A_116 = vector.shape_cast %parallel_loop3A_115 : vector<1x16xf32> to vector<16xf32>
        %parallel_loop3A_117 = arith.index_cast %parallel_loop3A_108 : i32 to index
        %parallel_loop3A_118 = arith.index_cast %parallel_loop3A_112 : i32 to index
        %parallel_loop3A_119 = tpu.vector_load %arg9[%parallel_loop3A_117, %parallel_loop3A_118] {strides = array<i32>} : memref<16x1024xf32, #tpu.memory_space<vmem>>, vector<1x16xf32>,
        %parallel_loop3A_120 = vector.shape_cast %parallel_loop3A_119 : vector<1x16xf32> to vector<16xf32>
        %parallel_loop3A_121 = arith.addf %parallel_loop3A_116, %parallel_loop3A_120 : vector<16xf32>
        %parallel_loop3A_122 = arith.index_cast %parallel_loop3A_108 : i32 to index
        %parallel_loop3A_123 = arith.index_cast %parallel_loop3A_112 : i32 to index
        %parallel_loop3A_124 = tpu.vector_load %arg11[%parallel_loop3A_122, %parallel_loop3A_123] {strides = array<i32>} : memref<16x1024xf32, #tpu.memory_space<vmem>>, vector<1x16xf32>,
        %parallel_loop3A_125 = vector.shape_cast %parallel_loop3A_124 : vector<1x16xf32> to vector<16xf32>
        %parallel_loop3A_126 = vector.shape_cast %parallel_loop3A_121 : vector<16xf32> to vector<1x16xf32>
        tpu.vector_store %arg11[%parallel_loop3A_122, %parallel_loop3A_123], %parallel_loop3A_126 {strides = array<i32>} : memref<16x1024xf32, #tpu.memory_space<vmem>>, vector<1x16xf32>,
      } {sc.loop_unroll_factor = 8 : i64, sc.parallel_access}
      %mul3A_60 = arith.constant 16 : i32
      %mul3A_61 = arith.muli %add3A_37, %mul3A_60 : i32
      %add3A_62 = arith.addi %mul3A_2, %mul3A_61 : i32
      %dma_start3A_63 = arith.constant 0 : i32
      %dma_start3A_64 = tpu.memref_slice %arg5[%add3A_62, %dma_start3A_63] : memref<32768x1024xf32, #tpu.memory_space<hbm>> -> memref<16x1024xf32, #tpu.memory_space<hbm>>
      %dma_start3A_65 = arith.constant 0 : i32
      %dma_start3A_66 = tpu.memref_slice %arg5[%add3A_62, %dma_start3A_65] : memref<32768x1024xf32, #tpu.memory_space<hbm>> -> memref<16x1024xf32, #tpu.memory_space<hbm>>
      tpu.enqueue_dma source(%arg11 : memref<16x1024xf32, #tpu.memory_space<vmem>>) target(%dma_start3A_66 : memref<16x1024xf32, #tpu.memory_space<hbm>>) target_semaphore(%arg17 : memref<!tpu.dma_semaphore, #tpu.memory_space<semaphore_mem>>)
      %mul3A_67 = arith.constant 2 : i32
      %mul3A_68 = arith.muli %scan3A_32, %mul3A_67 : i32
      %add3A_69 = arith.constant 1 : i32
      %add3A_70 = arith.addi %mul3A_68, %add3A_69 : i32
      %add3A_71 = arith.constant 1 : i32
      %add3A_72 = arith.addi %add3A_70, %add3A_71 : i32
      %lt3A_73 = arith.constant 64 : i32
      %lt3A_74 = arith.cmpi slt, %add3A_72, %lt3A_73 : i32
      %convert_element_type3A_75 = arith.extui %lt3A_74 : i1 to i32
      %cond3A_76 = arith.constant 0 : i32
      %cond3A_77 = arith.cmpi ne, %convert_element_type3A_75, %cond3A_76 : i32
      scf.if %cond3A_77 {
        %add3A_106 = arith.constant 1 : i32
        %add3A_107 = arith.addi %add3A_70, %add3A_106 : i32
        %mul3A_108 = arith.constant 16 : i32
        %mul3A_109 = arith.muli %add3A_107, %mul3A_108 : i32
        %add3A_110 = arith.addi %mul3A_2, %mul3A_109 : i32
        %dma_start3A_111 = arith.constant 0 : i32
        %dma_start3A_112 = tpu.memref_slice %arg2[%add3A_110, %dma_start3A_111] : memref<32768x1024xf32, #tpu.memory_space<hbm>> -> memref<16x1024xf32, #tpu.memory_space<hbm>>
        %dma_start3A_113 = arith.constant 0 : i32
        %dma_start3A_114 = tpu.memref_slice %arg2[%add3A_110, %dma_start3A_113] : memref<32768x1024xf32, #tpu.memory_space<hbm>> -> memref<16x1024xf32, #tpu.memory_space<hbm>>
        tpu.enqueue_dma source(%dma_start3A_114 : memref<16x1024xf32, #tpu.memory_space<hbm>>) target(%arg7 : memref<16x1024xf32, #tpu.memory_space<vmem>>) target_semaphore(%arg13 : memref<!tpu.dma_semaphore, #tpu.memory_space<semaphore_mem>>)
        %dma_start3A_115 = arith.constant 0 : i32
        %dma_start3A_116 = tpu.memref_slice %arg6[%add3A_107, %dma_start3A_115] : memref<64x16xi32, #tpu.memory_space<vmem>> -> memref<1x16xi32, #tpu.memory_space<vmem>>
        %dma_start3A_117 = tpu.memref_squeeze %dma_start3A_116 : memref<1x16xi32, #tpu.memory_space<vmem>> -> memref<16xi32, #tpu.memory_space<vmem>>
        %dma_start3A_118 = arith.constant 0 : i32
        %dma_start3A_119 = arith.constant 0 : i32
        %dma_start3A_120 = tpu.memref_slice %arg4[%dma_start3A_118, %dma_start3A_119] : memref<8192x1024xf32, #tpu.memory_space<hbm>> -> memref<8192x1024xf32, #tpu.memory_space<hbm>>
        tpu.enqueue_indirect_dma source(%dma_start3A_120 : memref<8192x1024xf32, #tpu.memory_space<hbm>>) target(%arg9 : memref<16x1024xf32, #tpu.memory_space<vmem>>) offsets(%dma_start3A_117 : memref<16xi32, #tpu.memory_space<vmem>>) semaphore(%arg15 : memref<!tpu.dma_semaphore, #tpu.memory_space<semaphore_mem>>)
      } else {
      }
      %dma_wait3A_78 = arith.constant 0 : i32
      %dma_wait3A_79 = arith.constant 0 : i32
      %dma_wait3A_80 = tpu.memref_slice %arg2[%dma_wait3A_78, %dma_wait3A_79] : memref<32768x1024xf32, #tpu.memory_space<hbm>> -> memref<16x1024xf32, #tpu.memory_space<hbm>>
      %dma_wait3A_81 = arith.constant 0 : i32
      %dma_wait3A_82 = arith.constant 0 : i32
      %dma_wait3A_83 = tpu.memref_slice %arg2[%dma_wait3A_81, %dma_wait3A_82] : memref<32768x1024xf32, #tpu.memory_space<hbm>> -> memref<16x1024xf32, #tpu.memory_space<hbm>>
      tpu.wait_dma2 semaphore(%arg14 : memref<!tpu.dma_semaphore, #tpu.memory_space<semaphore_mem>>) src(%dma_wait3A_83 : memref<16x1024xf32, #tpu.memory_space<hbm>>) dst(%arg8 : memref<16x1024xf32, #tpu.memory_space<vmem>>)
      %dma_wait3A_84 = arith.constant 0 : i32
      %dma_wait3A_85 = arith.constant 0 : i32
      %dma_wait3A_86 = tpu.memref_slice %arg4[%dma_wait3A_84, %dma_wait3A_85] : memref<8192x1024xf32, #tpu.memory_space<hbm>> -> memref<16x1024xf32, #tpu.memory_space<hbm>>
      %dma_wait3A_87 = arith.constant 0 : i32
      %dma_wait3A_88 = arith.constant 0 : i32
      %dma_wait3A_89 = tpu.memref_slice %arg4[%dma_wait3A_87, %dma_wait3A_88] : memref<8192x1024xf32, #tpu.memory_space<hbm>> -> memref<16x1024xf32, #tpu.memory_space<hbm>>
      tpu.wait_dma2 semaphore(%arg16 : memref<!tpu.dma_semaphore, #tpu.memory_space<semaphore_mem>>) src(%dma_wait3A_89 : memref<16x1024xf32, #tpu.memory_space<hbm>>) dst(%arg10 : memref<16x1024xf32, #tpu.memory_space<vmem>>)
      %ge3A_90 = arith.constant 2 : i32
      %ge3A_91 = arith.cmpi sge, %add3A_70, %ge3A_90 : i32
      %convert_element_type3A_92 = arith.extui %ge3A_91 : i1 to i32
      %cond3A_93 = arith.constant 0 : i32
      %cond3A_94 = arith.cmpi ne, %convert_element_type3A_92, %cond3A_93 : i32
      scf.if %cond3A_94 {
        %dma_wait3A_106 = arith.constant 0 : i32
        %dma_wait3A_107 = arith.constant 0 : i32
        %dma_wait3A_108 = tpu.memref_slice %arg5[%dma_wait3A_106, %dma_wait3A_107] : memref<32768x1024xf32, #tpu.memory_space<hbm>> -> memref<16x1024xf32, #tpu.memory_space<hbm>>
        %dma_wait3A_109 = arith.constant 0 : i32
        %dma_wait3A_110 = arith.constant 0 : i32
        %dma_wait3A_111 = tpu.memref_slice %arg5[%dma_wait3A_109, %dma_wait3A_110] : memref<32768x1024xf32, #tpu.memory_space<hbm>> -> memref<16x1024xf32, #tpu.memory_space<hbm>>
        tpu.wait_dma2 semaphore(%arg18 : memref<!tpu.dma_semaphore, #tpu.memory_space<semaphore_mem>>) src(%arg12 : memref<16x1024xf32, #tpu.memory_space<vmem>>) dst(%dma_wait3A_111 : memref<16x1024xf32, #tpu.memory_space<hbm>>)
      } else {
      }
      %parallel_loop3A_95 = arith.constant 0 : i32
      %parallel_loop3A_96 = arith.constant 1024 : i32
      %parallel_loop3A_97 = arith.constant 1 : i32
      scf.for %parallel_loop3A_106 = %parallel_loop3A_95 to %parallel_loop3A_96 step %parallel_loop3A_97  : i32 {
        %parallel_loop3A_107 = arith.constant 6 : i32
        %parallel_loop3A_108 = arith.shrsi %parallel_loop3A_106, %parallel_loop3A_107 : i32
        %parallel_loop3A_109 = arith.constant 63 : i32
        %parallel_loop3A_110 = arith.andi %parallel_loop3A_106, %parallel_loop3A_109 : i32
        %parallel_loop3A_111 = arith.constant 16 : i32
        %parallel_loop3A_112 = arith.muli %parallel_loop3A_110, %parallel_loop3A_111 : i32
        %parallel_loop3A_113 = arith.index_cast %parallel_loop3A_108 : i32 to index
        %parallel_loop3A_114 = arith.index_cast %parallel_loop3A_112 : i32 to index
        %parallel_loop3A_115 = tpu.vector_load %arg8[%parallel_loop3A_113, %parallel_loop3A_114] {strides = array<i32>} : memref<16x1024xf32, #tpu.memory_space<vmem>>, vector<1x16xf32>,
        %parallel_loop3A_116 = vector.shape_cast %parallel_loop3A_115 : vector<1x16xf32> to vector<16xf32>
        %parallel_loop3A_117 = arith.index_cast %parallel_loop3A_108 : i32 to index
        %parallel_loop3A_118 = arith.index_cast %parallel_loop3A_112 : i32 to index
        %parallel_loop3A_119 = tpu.vector_load %arg10[%parallel_loop3A_117, %parallel_loop3A_118] {strides = array<i32>} : memref<16x1024xf32, #tpu.memory_space<vmem>>, vector<1x16xf32>,
        %parallel_loop3A_120 = vector.shape_cast %parallel_loop3A_119 : vector<1x16xf32> to vector<16xf32>
        %parallel_loop3A_121 = arith.addf %parallel_loop3A_116, %parallel_loop3A_120 : vector<16xf32>
        %parallel_loop3A_122 = arith.index_cast %parallel_loop3A_108 : i32 to index
        %parallel_loop3A_123 = arith.index_cast %parallel_loop3A_112 : i32 to index
        %parallel_loop3A_124 = tpu.vector_load %arg12[%parallel_loop3A_122, %parallel_loop3A_123] {strides = array<i32>} : memref<16x1024xf32, #tpu.memory_space<vmem>>, vector<1x16xf32>,
        %parallel_loop3A_125 = vector.shape_cast %parallel_loop3A_124 : vector<1x16xf32> to vector<16xf32>
        %parallel_loop3A_126 = vector.shape_cast %parallel_loop3A_121 : vector<16xf32> to vector<1x16xf32>
        tpu.vector_store %arg12[%parallel_loop3A_122, %parallel_loop3A_123], %parallel_loop3A_126 {strides = array<i32>} : memref<16x1024xf32, #tpu.memory_space<vmem>>, vector<1x16xf32>,
      } {sc.loop_unroll_factor = 8 : i64, sc.parallel_access}
      %mul3A_98 = arith.constant 16 : i32
      %mul3A_99 = arith.muli %add3A_70, %mul3A_98 : i32
      %add3A_100 = arith.addi %mul3A_2, %mul3A_99 : i32
      %dma_start3A_101 = arith.constant 0 : i32
      %dma_start3A_102 = tpu.memref_slice %arg5[%add3A_100, %dma_start3A_101] : memref<32768x1024xf32, #tpu.memory_space<hbm>> -> memref<16x1024xf32, #tpu.memory_space<hbm>>
      %dma_start3A_103 = arith.constant 0 : i32
      %dma_start3A_104 = tpu.memref_slice %arg5[%add3A_100, %dma_start3A_103] : memref<32768x1024xf32, #tpu.memory_space<hbm>> -> memref<16x1024xf32, #tpu.memory_space<hbm>>
      tpu.enqueue_dma source(%arg12 : memref<16x1024xf32, #tpu.memory_space<vmem>>) target(%dma_start3A_104 : memref<16x1024xf32, #tpu.memory_space<hbm>>) target_semaphore(%arg18 : memref<!tpu.dma_semaphore, #tpu.memory_space<semaphore_mem>>)
      %scan3A_105 = arith.constant 0 : i32
      scf.yield %scan3A_105 : i32
    }
    %scan3A_20 = arith.constant 32 : i32
    %dma_wait3A = arith.constant 0 : i32
    %dma_wait3A_21 = arith.constant 0 : i32
    %dma_wait3A_22 = tpu.memref_slice %arg5[%dma_wait3A, %dma_wait3A_21] : memref<32768x1024xf32, #tpu.memory_space<hbm>> -> memref<16x1024xf32, #tpu.memory_space<hbm>>
    %dma_wait3A_23 = arith.constant 0 : i32
    %dma_wait3A_24 = arith.constant 0 : i32
    %dma_wait3A_25 = tpu.memref_slice %arg5[%dma_wait3A_23, %dma_wait3A_24] : memref<32768x1024xf32, #tpu.memory_space<hbm>> -> memref<16x1024xf32, #tpu.memory_space<hbm>>
    tpu.wait_dma2 semaphore(%arg17 : memref<!tpu.dma_semaphore, #tpu.memory_space<semaphore_mem>>) src(%arg11 : memref<16x1024xf32, #tpu.memory_space<vmem>>) dst(%dma_wait3A_25 : memref<16x1024xf32, #tpu.memory_space<hbm>>)
    %dma_wait3A_26 = arith.constant 0 : i32
    %dma_wait3A_27 = arith.constant 0 : i32
    %dma_wait3A_28 = tpu.memref_slice %arg5[%dma_wait3A_26, %dma_wait3A_27] : memref<32768x1024xf32, #tpu.memory_space<hbm>> -> memref<16x1024xf32, #tpu.memory_space<hbm>>
    %dma_wait3A_29 = arith.constant 0 : i32
    %dma_wait3A_30 = arith.constant 0 : i32
    %dma_wait3A_31 = tpu.memref_slice %arg5[%dma_wait3A_29, %dma_wait3A_30] : memref<32768x1024xf32, #tpu.memory_space<hbm>> -> memref<16x1024xf32, #tpu.memory_space<hbm>>
    tpu.wait_dma2 semaphore(%arg18 : memref<!tpu.dma_semaphore, #tpu.memory_space<semaphore_mem>>) src(%arg12 : memref<16x1024xf32, #tpu.memory_space<vmem>>) dst(%dma_wait3A_31 : memref<16x1024xf32, #tpu.memory_space<hbm>>)
    return
  }
}

</mosaic_0001>

<sc_bundles>
// kernel: kernel.3.cloned.1.call-start
scs
__scs_entry_jumppad:
0x0: {  	(pc) =	sbr.rel $0x88, $3  }
0x1: {  	(tag) =	ssettag $0x0;
	lr =	simm.s32 $0x1  }
0x2: {  	[smem:$0x3F9E] =	sst lr;
	_ =	strace $0xD0000000  }
0x3: {  	_ = 	snop  }
0x4: {  	_ = 	snop  }
0x5: {  	_ = 	snop  }
0x6: {  	_ = 	snop  }
0x7: {  	_ = 	snop  }
__scs_overlays_trampoline_lowered:
0x8: {  	[smem:$0x3FAD] =	sst s0  }
0x9: {  	[smem:$0x3FAE] =	sst s1  }
0xa: {  	[smem:$0x3FAF] =	sst s2  }
0xb: {  	[smem:$0x3FB0] =	sst s3  }
0xc: {  	[smem:$0x3FB1] =	sst s4  }
0xd: {  	[smem:$0x3FB2] =	sst s5  }
0xe: {  	[smem:$0x3FB3] =	sst s6  }
0xf: {  	[smem:$0x3FB4] =	sst s7  }
0x10: {  	[smem:$0x3FB5] =	sst s8  }
0x11: {  	[smem:$0x3FB6] =	sst s9;
	s0 =	simm.s32 @!p0 $0x0  }
0x12: {  	s1 =	sld [smem:$0x3F9C];
	s0 =	simm.s32 @p0 $0x1  }
0x13: {  	[smem:$0x3FB7] =	sst s0;
	s0 =	simm.s32 @!p1 $0x0  }
0x14: {  	s2 =	sld [smem:$0x3F9B];
	s0 =	simm.s32 @p1 $0x1  }
0x15: {  	[smem:$0x3FB8] =	sst s0;
	s0 =	simm.s32 @!p2 $0x0  }
0x16: {  	s3 =	sld [smem:$0x3FDB];
	s0 =	simm.s32 @p2 $0x1  }
0x17: {  	s4 =	simm.s32 $0x1BF5;
	[smem:$0x3FBA] =	sst s0  }
0x18: {  	s0 =	sld [smem:$0x3F9D];
	_ =	swait.ge [sflag:s4], $0x0  }
0x19: {  	s7 =	sld [smem:$0x3F9E]  }
0x1a: {  	s8 =	sadd.s32 $0xFFFFE003, lr  }
0x1b: {  	s9 =	sadd.s32 $0xFFFFFEF7, lr;
	s5 =	simm.s32 $0xFFFFFFFF;
	p2 =	slt.u32 s8, $0xFFFFF086  }
0x1c: {  	p1 =	slt.u32 s9, $0xF7A;
	s5 =	simm.s32 @!p2 $0x0  }
0x1d: {  	s5 =	simm.s32 @p1 $0x1;
	p0 =	seq.s32 s7, s2  }
0x1e: {  	s7 =	smul.u32 @!p0 $0xF7A, s2;
	p2 =	seq.s32 @!p0 s5, $0x0  }
0x1f: {  	s9 =	smul.u32 $0xF7A, s1;
	s8 =	simm.s32 @!p0 $0x1BF5;
	p2 =	por !p2, p0  }
0x20: {  	[sflag:s8] =	ssyncset.s32 @!p0 $0xFFFFF086;
	s6 =	sadd.s32 @!p0 s3, s7;
	s7 =	simm.s32 @!p0 $0x108  }
0x21: {  	s3 =	sadd.s32 s3, s9;
	s6 =	sadd.s32 @!p0 $0x88, s6;
	s7 =	simm.s32 @p2 $0x1082  }
0x22: {  	[simem:s7], [sflag:s8] =	dma.local @!p0 [hbm:s6], $0xF7A  }
0x23: {  	s9 =	sor.u32 $0xD0000000, s2;
	s6 =	simm.s32 $0x108;
	_ =	swait.ge @!p0 [sflag:s8], $0x0  }
0x24: {  	s3 =	sadd.s32 $0x88, s3;
	s6 =	simm.s32 @!p1 $0x1082;
	[sflag:s4] =	ssyncset.s32 $0xFFFFF086  }
0x25: {  	[simem:s6], [sflag:s4] =	dma.local [hbm:s3], $0xF7A  }
0x26: {  	[smem:$0x3F9E] =	sst s1;
	(tag) =	ssettag s2;
	_ =	strace s9  }
0x27: {  	s1 =	sld [smem:$0x3FAE]  }
0x28: {  	s2 =	sld [smem:$0x3FAF]  }
0x29: {  	s4 =	sld [smem:$0x3FB1]  }
0x2a: {  	p0 =	seq.s32 s5, $0x0;
	s5 =	sld [smem:$0x3FB2]  }
0x2b: {  	s6 =	sld [smem:$0x3FB3]  }
0x2c: {  	s7 =	sld [smem:$0x3FB4]  }
0x2d: {  	s3 =	simm.s32 $0x108;
	s8 =	sld [smem:$0x3FB5]  }
0x2e: {  	s3 =	simm.s32 @!p0 $0x1082;
	s9 =	sld [smem:$0x3FB6]  }
0x2f: {  	lr =	sadd.s32 s0, s3;
	s0 =	sld [smem:$0x3FAD]  }
0x30: {  	s3 =	sld [smem:$0x3FB0]  }
0x31: {  	[smem:$0x3FB9] =	sst s10  }
0x32: {  	s10 =	sld [smem:$0x3FB7];
	_ =	sdelay $0x3  }
0x33: {  	p0 =	seq.s32 s10, $0x1;
	s10 =	sld [smem:$0x3FB9];
	_ =	sdelay $0x3  }
0x34: {  	[smem:$0x3FB9] =	sst s10  }
0x35: {  	s10 =	sld [smem:$0x3FB8];
	_ =	sdelay $0x3  }
0x36: {  	p1 =	seq.s32 s10, $0x1;
	s10 =	sld [smem:$0x3FB9];
	_ =	sdelay $0x3  }
0x37: {  	[smem:$0x3FB9] =	sst s10  }
0x38: {  	s10 =	sld [smem:$0x3FBA]  }
0x39: {  	_ = 	snop;
	(pc) =	sbr.ind lr, $3  }
0x3a: {  	_ = 	snop  }
0x3b: {  	_ = 	snop  }
0x3c: {  	p2 =	seq.s32 s10, $0x1;
	s10 =	sld [smem:$0x3FB9]  }
0x3d: {  	_ =	shalt  }
0x3e: {  	_ =	shalt  }
0x3f: {  	_ =	shalt  }
0x40: {  	_ =	shalt  }
0x41: {  	_ =	shalt  }
0x42: {  	_ =	shalt  }
0x43: {  	_ =	shalt  }
0x44: {  	_ =	shalt  }
0x45: {  	_ =	shalt  }
0x46: {  	_ =	shalt  }
0x47: {  	_ =	shalt  }
0x48: {  	_ =	shalt  }
0x49: {  	_ =	shalt  }
0x4a: {  	_ =	shalt  }
0x4b: {  	_ =	shalt  }
0x4c: {  	_ =	shalt  }
0x4d: {  	_ =	shalt  }
0x4e: {  	_ =	shalt  }
0x4f: {  	_ =	shalt  }
0x50: {  	_ =	shalt  }
0x51: {  	_ =	shalt  }
0x52: {  	_ =	shalt  }
0x53: {  	_ =	shalt  }
0x54: {  	_ =	shalt  }
0x55: {  	_ =	shalt  }
0x56: {  	_ =	shalt  }
0x57: {  	_ =	shalt  }
0x58: {  	_ =	shalt  }
0x59: {  	_ =	shalt  }
0x5a: {  	_ =	shalt  }
0x5b: {  	_ =	shalt  }
0x5c: {  	_ =	shalt  }
0x5d: {  	_ =	shalt  }
0x5e: {  	_ =	shalt  }
0x5f: {  	_ =	shalt  }
0x60: {  	_ =	shalt  }
0x61: {  	_ =	shalt  }
0x62: {  	_ =	shalt  }
0x63: {  	_ =	shalt  }
0x64: {  	_ =	shalt  }
0x65: {  	_ =	shalt  }
0x66: {  	_ =	shalt  }
0x67: {  	_ =	shalt  }
0x68: {  	_ =	shalt  }
0x69: {  	_ =	shalt  }
0x6a: {  	_ =	shalt  }
0x6b: {  	_ =	shalt  }
0x6c: {  	_ =	shalt  }
0x6d: {  	_ =	shalt  }
0x6e: {  	_ =	shalt  }
0x6f: {  	_ =	shalt  }
0x70: {  	_ =	shalt  }
0x71: {  	_ =	shalt  }
0x72: {  	_ =	shalt  }
0x73: {  	_ =	shalt  }
0x74: {  	_ =	shalt  }
0x75: {  	_ =	shalt  }
0x76: {  	_ =	shalt  }
0x77: {  	_ =	shalt  }
0x78: {  	_ =	shalt  }
0x79: {  	_ =	shalt  }
0x7a: {  	_ =	shalt  }
0x7b: {  	_ =	shalt  }
0x7c: {  	_ =	shalt  }
0x7d: {  	_ =	shalt  }
0x7e: {  	_ =	shalt  }
0x7f: {  	_ =	shalt  }
0x80: {  	_ =	shalt  }
0x81: {  	_ =	shalt  }
0x82: {  	_ =	shalt  }
0x83: {  	_ =	shalt  }
0x84: {  	_ =	shalt  }
0x85: {  	_ =	shalt  }
0x86: {  	_ =	shalt  }
0x87: {  	_ =	shalt  }
.Lfunc_end0:
.L_simem_size_0:
called_computation_lowered:
.L_overlay_start_0:
0x88: {  	s2 =	sld [smem:$0x3FD9]  }
0x89: {  	s3 =	sld [smem:$0x3FFE];
	_ =	sdelay $0x1  }
0x8a: {  	s1 =	srdreg.scid  }
0x8b: {  	s0 =	sand.u32 $0x1, s1  }
0x8c: {  	s17 =	sshll.u32 s0, $0xA;
	s2 =	sadd.s32 s3, s2  }
0x8d: {  	s2 =	sadd.s32 s2, s17  }
0x8e: {  	[smem:$0x3FC5] =	sst s2  }
0x8f: {  	_ = 	snop  }
0x90: {  	s2 =	sld [smem:$0x3FC9]  }
0x91: {  	s18 =	sld [smem:$0x3FC7]  }
0x92: {  	s4 =	sld [smem:$0x3FD0];
	(tm) =	ssettm $0x1  }
0x93: {  	s5 =	sld [smem:$0x3FFB];
	_ =	sdelay $0x3  }
0x94: {  	_ =	strace s5  }
0x95: {  	s5 =	sld [smem:$0x3FFC];
	_ =	sdelay $0x3  }
0x96: {  	_ =	strace s5  }
0x97: {  	s5 =	sld [smem:$0x3FFD];
	_ =	sdelay $0x3  }
0x98: {  	_ =	strace s5  }
0x99: {  	_ =	strace $0x8FFFFFFF  }
0x9a: {  	s19 =	sld [smem:$0x3FDB];
	_ =	sdelay $0x1  }
0x9b: {  	s6 =	simm.s32 $_scs_section_size  }
0x9c: {  	s7 =	simm.s32 $_size__tile_overlayer_lowered;
	s8 =	simm.s32 $_tile_overlayer_lowered  }
0x9d: {  	s22 =	simm.s32 $0x1BFF;
	s21 =	sshll.u32 s8, $0x1;
	s5 =	sadd.s32 s6, s19  }
0x9e: {  	s9 =	simm.s32 $0x0;
	s20 =	sshll.u32 s7, $0x1;
	s7 =	sadd.s32 s21, s5  }
0x9f: {  	[timem:s9], [sflag:s22] =	dma.local [hbm:s7], s20  }
0xa0: {  	_ =	swait.ge [sflag:s22], s20  }
0xa1: {  	s6 =	ssub.s32 $0x0, s20;
	[sflag:s22] =	ssyncset.done $0x0  }
0xa2: {  	[sflag:s22] =	ssyncadd.s32 s6;
	_ =	sdelay $0x1  }
0xa3: {  	s23 =	simm.s32 $0x1B8B  }
0xa4: {  	_ =	swait.ge [sflag:s23], $0x1  }
0xa5: {  	[sflag:s23] =	ssyncset.done $0x0  }
0xa6: {  	s25 =	simm.s32 $0x1B8E;
	s24 =	sld [smem:$0x3FFE];
	[sflag:s23] =	ssyncadd.s32 $0xFFFFFFFF  }
0xa7: {  	s26 =	simm.s32 $execute0_lowered;
	[smem:$0x3FD2] =	sst s25  }
0xa8: {  	s7 =	sshll.u32 s26, $0x1;
	_ =	strace $0x80000046;
	[dreg:$0x1] =	wrdreg $0xFFFFFFFF  }
0xa9: {  	s28 =	simm.s32 $_size_execute0_lowered;
	s5 =	sadd.s32 s5, s7;
	[dreg:$0x0] =	wrdreg $0x0  }
0xaa: {  	s7 =	sshll.u32 s28, $0x1;
	[dreg:$0x2] =	wrdreg s5  }
0xab: {  	[dreg:$0x3] =	wrdreg s7  }
0xac: {  	[dreg:$0x4] =	wrdreg $0xC0  }
0xad: {  	_ =	task [dreg:s9], $0x5FFFF  }
0xae: {  	[dreg:$0x1] =	wrdreg $0xFFFFFFFF  }
0xaf: {  	[dreg:$0x0] =	wrdreg $0x60  }
0xb0: {  	[dreg:$0x2] =	wrdreg s2  }
0xb1: {  	[dreg:$0x3] =	wrdreg s24  }
0xb2: {  	[dreg:$0x4] =	wrdreg s18  }
0xb3: {  	[dreg:$0x5] =	wrdreg s4  }
0xb4: {  	[dreg:$0x6] =	wrdreg $0x9  }
0xb5: {  	_ =	task.clear_ibuf [dreg:s9], $0x7FFFF;
	_ =	strace $0x90000046  }
0xb6: {  	s29 =	simm.s32 $0x9;
	_ =	strace $0x80000048  }
0xb7: {  	_ =	swait.ge [sflag:s29], $0x1  }
0xb8: {  	[sflag:s29] =	ssyncadd.s32 $0xFFFFFFFF  }
0xb9: {  	_ =	strace $0x90000048  }
0xba: {  	_ =	sfence  }
0xbb: {  	s30 =	sld [smem:$0x0];
	_ =	sdelay $0x2  }
0xbc: {  	s31 =	sshll.u32 s1, $0xD;
	s1 =	sshrl.u32 s1, $0x2  }
0xbd: {  	s3 =	sand.u32 $0x4000, s31;
	s1 =	sadd.s32 s1, s30  }
0xbe: {  	s0 =	sor.u32 s3, s0;
	s1 =	sshll.u32 s1, $0x11  }
0xbf: {  	s0 =	sor.u32 s1, s0  }
0xc0: {  	s0 =	sadd.s32 $0x8F2B, s0  }
0xc1: {  	[sflag:s0] =	ssyncadd.remote.s32 $0x1  }
0xc2: {  	_ =	sfence.sel $0xFFFF  }
0xc3: {  	[dreg:$0x0] =	wrdreg $0xFFFFFFFF;
	(pc) =	sbr.abs _section_cstart, $3  }
0xc4: {  	[dreg:$0x1] =	wrdreg $0xFFFFFFFF  }
0xc5: {  	_ =	task.clear_ibuf [dreg:s9], $0x2FFFF;
	_ =	strace $0x9FFFFFFF  }
0xc6: {  	(tm) =	ssettm $0x7FFFFFFF  }
0xc7: {  	_ =	shalt  }
tec
execute0_lowered:
.L_overlay_start_1:
0x0: {  	(tag) =	ssettag $0x1  }
0x1: {  	s1 =	rddreg [dreg:$0x0]  }
0x2: {  	s0 =	rddreg [dreg:$0x1]  }
0x3: {  	s3 =	rddreg [dreg:$0x2]  }
0x4: {  	s12 =	rddreg [dreg:$0x3]  }
0x5: {  	s2 =	srdreg.scid;
	s4 =	stileid.u32  }
0x6: {  	s5 =	simm.s32 $0x0;
	s28 =	simm.s32 $0xF000;
	s29 =	simm.s32 $0xF800  }
0x7: {  	s30 =	simm.s32 $0x10000;
	s31 =	simm.s32 $0x10800;
	s15 =	simm.s32 $0x1  }
0x8: {  	s16 =	simm.s32 $0x3;
	s17 =	simm.s32 $0x12000;
	s18 =	simm.s32 $0x2  }
0x9: {  	s19 =	simm.s32 $0x4;
	s20 =	simm.s32 $0x16000;
	s2 =	sand.u32 $0x1, s2  }
0xa: {  	s6 =	sshll.u32 s4, $0x1;
	[smem:$0x7FF] =	sst s5;
	s9 =	sadd.s32 $0x100, s3  }
0xb: {  	s10 =	sadd.s32 $0x200, s3;
	s11 =	sadd.s32 $0x300, s3;
	s6 =	sor.u32 s2, s6  }
0xc: {  	_ =	strace $0x80000047;
	s2 =	ssub.s32 $0x2, s2;
	s7 =	sshll.u32 s6, $0xA  }
0xd: {  	s25 =	sshrl.u32 s2, $0x1;
	s6 =	sshll.u32 s6, $0x11;
	s0 =	sadd.s32 s7, s0  }
0xe: {  	s2 =	ssub.s32 s2, s25;
	s8 =	sadd.s32 s1, s6;
	s12 =	sadd.s32 s12, s6  }
0xf: {  	v2 =	vlaneseq.u32;
	s25 =	simm.s32 $0xE000;
	s7 =	simm.s32 $0x0;
	s0 =	sadd.s32 $0x400, s0  }
0x10: {  	vm0 =	vmmov $0xffff;
	v1 =	vshrl.u32 v2, $0x3;
	s26 =	smax.u32 s2, $0x1;
	s2 =	simm.s32 $0x11800;
	[dreg:$0x5] =	wrdreg s0  }
0x11: {  	v0 =	vand.u32 $0x7, v2;
	v2 =	vor.u32 $0x8, v2;
	v1 =	vmul.u32 $0x8, v1;
	[dreg:$0x6] =	wrdreg s26;
	s26 =	simm.s32 $0xE800;
	s0 =	simm.s32 $0x11000  }
.LBB2_1:
0x12: {  	[dreg:$0x7] =	wrdreg s7  }
0x13: {  	s1 =	rddreg [dreg:$0x5];
	s23 =	simm.s32 $0x7  }
0x14: {  	[tilespmem:s5], [sflag:$0x7] =	stream.linear.gather [hbm4b:s1+s5], $0x2000, $0x38;
	[tilespmem:$0x1A000] =	vst v63  }
0x15: {  	_ =	swait.ge [sflag:s23], $0x2000  }
0x16: {  	[sflag:s23] =	ssyncset.done $0x0  }
0x17: {  	s24 =	simm.s32 $0x2000;
	[sflag:s23] =	ssyncadd.s32 $0xFFFFE000  }
0x18: {  	[tilespmem:s24], [sflag:$0x1] =	stream.linear.gather [hbm4b:s8+s5], $0x4000, $0x38;
	[tilespmem:$0x1A000] =	vst v63  }
0x19: {  	v3 =	vld [tilespmem:$0x0];
	_ =	sdelay $0x4  }
0x1a: {  	v4 =	vshll.u32 v3, $0x3  }
0x1b: {  	v3 =	vand.u32 $0x7, v3;
	v4 =	vand.u32 $0xFFFFFFC0, v4  }
0x1c: {  	v3 =	vor.u32 v3, v4  }
0x1d: {  	v4 =	vperm.xlane v3, v0;
	_ =	sdelay $0x1  }
0x1e: {  	v4 =	vadd.s32 v1, v4;
	_ =	sdelay $0x3  }
0x1f: {  	s4 =	simm.s32 $0xA000  }
0x20: {  	[tilespmem:s4], [sflag:$0x3] =	stream.indirect_vreg.gather [hbm4b:s3+s5], $0x80, v4, vm0, $0xb8;
	[tilespmem:$0x1A000] =	vst v63  }
0x21: {  	s7 =	simm.s32 $0xA800;
	v3 =	vperm.xlane v3, v2  }
0x22: {  	[tilespmem:s7], [sflag:$0x3] =	stream.indirect_vreg.gather [hbm4b:s9+s5], $0x80, v4, vm0, $0xb8;
	[tilespmem:$0x1A000] =	vst v63  }
0x23: {  	s13 =	simm.s32 $0xB000;
	v3 =	vadd.s32 v1, v3  }
0x24: {  	[tilespmem:s13], [sflag:$0x3] =	stream.indirect_vreg.gather [hbm4b:s10+s5], $0x80, v4, vm0, $0xb8;
	[tilespmem:$0x1A000] =	vst v63  }
0x25: {  	s14 =	simm.s32 $0xB800  }
0x26: {  	[tilespmem:s14], [sflag:$0x3] =	stream.indirect_vreg.gather [hbm4b:s11+s5], $0x80, v4, vm0, $0xb8;
	[tilespmem:$0x1A000] =	vst v63  }
0x27: {  	s21 =	simm.s32 $0xC000  }
0x28: {  	[tilespmem:s21], [sflag:$0x3] =	stream.indirect_vreg.gather [hbm4b:s3+s5], $0x80, v3, vm0, $0xb8;
	[tilespmem:$0x1A000] =	vst v63  }
0x29: {  	s22 =	simm.s32 $0xC800  }
0x2a: {  	[tilespmem:s22], [sflag:$0x3] =	stream.indirect_vreg.gather [hbm4b:s9+s5], $0x80, v3, vm0, $0xb8;
	[tilespmem:$0x1A000] =	vst v63  }
0x2b: {  	s23 =	simm.s32 $0xD000  }
0x2c: {  	[tilespmem:s23], [sflag:$0x3] =	stream.indirect_vreg.gather [hbm4b:s10+s5], $0x80, v3, vm0, $0xb8;
	[tilespmem:$0x1A000] =	vst v63  }
0x2d: {  	s24 =	simm.s32 $0xD800;
	s7 =	simm.s32 $0x0  }
0x2e: {  	[tilespmem:s24], [sflag:$0x3] =	stream.indirect_vreg.gather [hbm4b:s11+s5], $0x80, v3, vm0, $0xb8;
	[tilespmem:$0x1A000] =	vst v63  }
.LBB2_2:
0x2f: {  	s14 =	sshllo.u32 s7, $0x1  }
0x30: {  	s13 =	sshll.u32 s14, $0xB  }
0x31: {  	s1 =	rddreg [dreg:$0x0];
	s14 =	sshll.u32 s14, $0x7;
	s13 =	sadd.s32 s6, s13  }
0x32: {  	s23 =	simm.s32 $0x6000;
	s14 =	sand.u32 $0x3FFFFF80, s14;
	s21 =	sadd.s32 s1, s13  }
0x33: {  	[tilespmem:s23], [sflag:$0x2] =	stream.linear.gather [hbm4b:s21+s5], $0x4000, $0x38;
	[tilespmem:$0x1A000] =	vst v63  }
0x34: {  	v3 =	vld [tilespmem:s14+$0x0];
	_ =	sdelay $0x4  }
0x35: {  	v4 =	vshll.u32 v3, $0x3  }
0x36: {  	v3 =	vand.u32 $0x7, v3;
	v4 =	vand.u32 $0xFFFFFFC0, v4  }
0x37: {  	v3 =	vor.u32 v3, v4  }
0x38: {  	v4 =	vperm.xlane v3, v0;
	_ =	sdelay $0x1  }
0x39: {  	v4 =	vadd.s32 v1, v4;
	_ =	sdelay $0x4  }
0x3a: {  	[tilespmem:s25], [sflag:$0x4] =	stream.indirect_vreg.gather [hbm4b:s3+s5], $0x80, v4, vm0, $0xb8;
	[tilespmem:$0x1A000] =	vst v63  }
0x3b: {  	v3 =	vperm.xlane v3, v2  }
0x3c: {  	[tilespmem:s26], [sflag:$0x4] =	stream.indirect_vreg.gather [hbm4b:s9+s5], $0x80, v4, vm0, $0xb8;
	[tilespmem:$0x1A000] =	vst v63  }
0x3d: {  	v3 =	vadd.s32 v1, v3  }
0x3e: {  	[tilespmem:s28], [sflag:$0x4] =	stream.indirect_vreg.gather [hbm4b:s10+s5], $0x80, v4, vm0, $0xb8;
	[tilespmem:$0x1A000] =	vst v63  }
0x3f: {  	_ = 	snop  }
0x40: {  	[tilespmem:s29], [sflag:$0x4] =	stream.indirect_vreg.gather [hbm4b:s11+s5], $0x80, v4, vm0, $0xb8;
	[tilespmem:$0x1A000] =	vst v63  }
0x41: {  	_ = 	snop  }
0x42: {  	[tilespmem:s30], [sflag:$0x4] =	stream.indirect_vreg.gather [hbm4b:s3+s5], $0x80, v3, vm0, $0xb8;
	[tilespmem:$0x1A000] =	vst v63  }
0x43: {  	_ = 	snop  }
0x44: {  	[tilespmem:s31], [sflag:$0x4] =	stream.indirect_vreg.gather [hbm4b:s9+s5], $0x80, v3, vm0, $0xb8;
	[tilespmem:$0x1A000] =	vst v63  }
0x45: {  	_ = 	snop  }
0x46: {  	[tilespmem:s0], [sflag:$0x4] =	stream.indirect_vreg.gather [hbm4b:s10+s5], $0x80, v3, vm0, $0xb8;
	[tilespmem:$0x1A000] =	vst v63  }
0x47: {  	_ = 	snop  }
0x48: {  	[tilespmem:s2], [sflag:$0x4] =	stream.indirect_vreg.gather [hbm4b:s11+s5], $0x80, v3, vm0, $0xb8;
	[tilespmem:$0x1A000] =	vst v63  }
0x49: {  	_ =	swait.ge [sflag:s15], $0x4000  }
0x4a: {  	[sflag:s15] =	ssyncset.done $0x0  }
0x4b: {  	[sflag:s15] =	ssyncadd.s32 $0xFFFFC000  }
0x4c: {  	p0 =	seq.s32 s7, $0x0;
	_ =	swait.ge [sflag:s16], $0x4000  }
0x4d: {  	s22 =	simm.s32 $0x0;
	s24 =	simm.s32 $0x0;
	[sflag:s16] =	ssyncset.done $0x0  }
0x4e: {  	s21 =	simm.s32 $0x0;
	s14 =	simm.s32 @!p0 $0x5;
	[sflag:s16] =	ssyncadd.s32 $0xFFFFC000  }
0x4f: {  	s22 =	sand.u32 $0x2000, s22;
	s23 =	sand.u32 $0x1C00, s21;
	_ =	swait.ge @!p0 [sflag:s14], $0x4000  }
0x50: {  	s1 =	sand.u32 $0x380, s24;
	s22 =	sor.u32 s23, s22;
	[sflag:s14] =	ssyncset.done @!p0 $0x0  }
0x51: {  	[sflag:s14] =	ssyncadd.s32 @!p0 $0xFFFFC000;
	s14 =	sor.u32 s1, s22  }
0x52: {  	v3 =	vld [tilespmem:s14+$0x2070]  }
0x53: {  	v5 =	vld [tilespmem:s14+$0xA070]  }
0x54: {  	v6 =	vld [tilespmem:s14+$0x2000]  }
0x55: {  	v8 =	vld [tilespmem:s14+$0xA000]  }
0x56: {  	v9 =	vld [tilespmem:s14+$0x2010]  }
0x57: {  	v10 =	vld [tilespmem:s14+$0xA010]  }
0x58: {  	v4 =	vld [tilespmem:s14+$0x2020]  }
0x59: {  	v7 =	vld [tilespmem:s14+$0xA020];
	v5 =	vadd.f32 v5, v3  }
0x5a: {  	v8 =	vadd.f32 v8, v6;
	v3 =	vld [tilespmem:s14+$0x2030]  }
0x5b: {  	v6 =	vld [tilespmem:s14+$0xA030];
	[tilespmem:s14+$0x12070] =	vst v5  }
0x5c: {  	s23 =	simm.s32 $0x0;
	s22 =	sshll.u32 s7, $0x1;
	[tilespmem:s14+$0x12000] =	vst v8;
	v8 =	vadd.f32 v10, v9;
	v5 =	vld [tilespmem:s14+$0x2040]  }
.LBB2_3:
0x5d: {  	s23 =	sadd.s32 $0x8, s23;
	v9 =	vld [tilespmem:s14+$0xA040]  }
0x5e: {  	s21 =	sadd.s32 $0x400, s21;
	s1 =	sshll.u32 s23, $0x4;
	p1 =	slt.u32 s23, $0x3F8;
	[tilespmem:s14+$0x12010] =	vst v8;
	v4 =	vadd.f32 v7, v4;
	v7 =	vld [tilespmem:s14+$0x2050]  }
0x5f: {  	s4 =	sand.u32 $0x1C00, s21;
	s24 =	sshll.u32 s23, $0x1;
	s1 =	sand.u32 $0x2000, s1;
	v8 =	vld [tilespmem:s14+$0xA050]  }
0x60: {  	s1 =	sor.u32 s4, s1;
	s4 =	sand.u32 $0x380, s24;
	[tilespmem:s14+$0x12020] =	vst v4;
	v3 =	vadd.f32 v6, v3;
	v4 =	vld [tilespmem:s14+$0x2060]  }
0x61: {  	s1 =	sor.u32 s4, s1;
	v6 =	vld [tilespmem:s14+$0xA060]  }
0x62: {  	v10 =	vld [tilespmem:s1+$0x2070];
	[tilespmem:s14+$0x12030] =	vst v3;
	v3 =	vadd.f32 v9, v5  }
0x63: {  	v5 =	vld [tilespmem:s1+$0xA070]  }
0x64: {  	v9 =	vld [tilespmem:s1+$0x2000];
	[tilespmem:s14+$0x12040] =	vst v3;
	v3 =	vadd.f32 v8, v7  }
0x65: {  	v8 =	vld [tilespmem:s1+$0xA000]  }
0x66: {  	v11 =	vld [tilespmem:s1+$0x2010];
	[tilespmem:s14+$0x12050] =	vst v3;
	v3 =	vadd.f32 v6, v4  }
0x67: {  	v12 =	vld [tilespmem:s1+$0xA010]  }
.Ltmp0:
0x68: {  	v4 =	vld [tilespmem:s1+$0x2020];
	v5 =	vadd.f32 v5, v10;
	[tilespmem:s14+$0x12060] =	vst v3;
	s14 =	smov.u32 s1;
	(pc) =	sbr.rel @p1 .LBB2_3-.Ltmp0, $4  }
0x69: {  	v7 =	vld [tilespmem:s14+$0xA020]  }
0x6a: {  	v8 =	vadd.f32 v8, v9;
	v3 =	vld [tilespmem:s14+$0x2030];
	[tilespmem:s14+$0x12070] =	vst v5  }
0x6b: {  	v6 =	vld [tilespmem:s14+$0xA030]  }
0x6c: {  	[tilespmem:s14+$0x12000] =	vst v8;
	v8 =	vadd.f32 v12, v11;
	v5 =	vld [tilespmem:s14+$0x2040]  }
0x6d: {  	v9 =	vld [tilespmem:s14+$0xA040]  }
0x6e: {  	v10 =	vld [tilespmem:s14+$0x2050]  }
0x6f: {  	v11 =	vld [tilespmem:s14+$0xA050]  }
0x70: {  	v12 =	vld [tilespmem:s14+$0x2060]  }
0x71: {  	v13 =	vld [tilespmem:s14+$0xA060]  }
0x72: {  	v4 =	vadd.f32 v7, v4  }
0x73: {  	[tilespmem:s14+$0x12010] =	vst v8;
	v3 =	vadd.f32 v6, v3  }
0x74: {  	[tilespmem:s14+$0x12020] =	vst v4;
	v4 =	vadd.f32 v9, v5  }
0x75: {  	[tilespmem:s14+$0x12030] =	vst v3;
	v3 =	vadd.f32 v11, v10  }
0x76: {  	[tilespmem:s14+$0x12040] =	vst v4;
	v4 =	vadd.f32 v13, v12  }
0x77: {  	s1 =	sshll.u32 s7, $0xC;
	[tilespmem:s14+$0x12050] =	vst v3  }
0x78: {  	p1 =	seq.s32 s7, $0x1F;
	s1 =	sadd.s32 s1, s12;
	[tilespmem:s14+$0x12060] =	vst v4  }
0x79: {  	[hbm4b:s1+s5] =	stream.linear.scatter [tilespmem:s17], [sflag:$0x5], $0x4000, $0x38;
	[tilespmem:$0x1A000] =	vst v63  }
0x7a: {  	s1 =	sadd.s32 @!p1 $0x2, s22  }
0x7b: {  	s21 =	simm.s32 @!p1 $0x2000;
	s4 =	sshll.u32 @!p1 s1, $0xB;
	s1 =	sshll.u32 @!p1 s1, $0x7  }
0x7c: {  	s14 =	simm.s32 @!p1 $0x0;
	s4 =	sadd.s32 @!p1 s4, s8;
	s1 =	sand.u32 @!p1 $0x3FFFFF80, s1  }
0x7d: {  	[tilespmem:s21], [sflag:$0x1] =	stream.linear.gather @!p1 [hbm4b:s4+s14], $0x4000, $0x38;
	[tilespmem:$0x1A000] =	vst v63  }
0x7e: {  	v3 =	vld @!p1 [tilespmem:s1+$0x0];
	_ =	sdelay $0x4  }
0x7f: {  	v4 =	vshll.u32 @!p1 v3, $0x3  }
0x80: {  	v5 =	vlaneseq.u32 @!p1;
	v3 =	vand.u32 @!p1 $0x7, v3;
	v4 =	vand.u32 @!p1 $0xFFFFFFC0, v4  }
0x81: {  	v6 =	vshrl.u32 @!p1 v5, $0x3;
	v3 =	vor.u32 @!p1 v3, v4;
	v4 =	vand.u32 @!p1 $0x7, v5  }
0x82: {  	v6 =	vmul.u32 @!p1 $0x8, v6;
	v4 =	vperm.xlane @!p1 v3, v4;
	_ =	sdelay $0x1  }
0x83: {  	v4 =	vadd.s32 @!p1 v6, v4;
	_ =	sdelay $0x3  }
0x84: {  	vm1 =	vmmov @!p1 $0xffff;
	s1 =	simm.s32 @!p1 $0xA000  }
0x85: {  	v5 =	vor.u32 @!p1 $0x8, v5;
	[tilespmem:s1], [sflag:$0x3] =	stream.indirect_vreg.gather @!p1 [hbm4b:s3+s14], $0x80, v4, vm1, $0xb8;
	[tilespmem:$0x1A000] =	vst v63  }
0x86: {  	v3 =	vperm.xlane @!p1 v3, v5;
	s1 =	simm.s32 @!p1 $0xA800  }
0x87: {  	[tilespmem:s1], [sflag:$0x3] =	stream.indirect_vreg.gather @!p1 [hbm4b:s9+s14], $0x80, v4, vm1, $0xb8;
	[tilespmem:$0x1A000] =	vst v63  }
0x88: {  	v3 =	vadd.s32 @!p1 v6, v3;
	s1 =	simm.s32 @!p1 $0xB000  }
0x89: {  	[tilespmem:s1], [sflag:$0x3] =	stream.indirect_vreg.gather @!p1 [hbm4b:s10+s14], $0x80, v4, vm1, $0xb8;
	[tilespmem:$0x1A000] =	vst v63  }
0x8a: {  	s1 =	simm.s32 @!p1 $0xB800  }
0x8b: {  	[tilespmem:s1], [sflag:$0x3] =	stream.indirect_vreg.gather @!p1 [hbm4b:s11+s14], $0x80, v4, vm1, $0xb8;
	[tilespmem:$0x1A000] =	vst v63  }
0x8c: {  	s1 =	simm.s32 @!p1 $0xC000  }
0x8d: {  	[tilespmem:s1], [sflag:$0x3] =	stream.indirect_vreg.gather @!p1 [hbm4b:s3+s14], $0x80, v3, vm1, $0xb8;
	[tilespmem:$0x1A000] =	vst v63  }
0x8e: {  	s1 =	simm.s32 @!p1 $0xC800  }
0x8f: {  	[tilespmem:s1], [sflag:$0x3] =	stream.indirect_vreg.gather @!p1 [hbm4b:s9+s14], $0x80, v3, vm1, $0xb8;
	[tilespmem:$0x1A000] =	vst v63  }
0x90: {  	s1 =	simm.s32 @!p1 $0xD000  }
0x91: {  	[tilespmem:s1], [sflag:$0x3] =	stream.indirect_vreg.gather @!p1 [hbm4b:s10+s14], $0x80, v3, vm1, $0xb8;
	[tilespmem:$0x1A000] =	vst v63  }
0x92: {  	s1 =	simm.s32 @!p1 $0xD800  }
0x93: {  	[tilespmem:s1], [sflag:$0x3] =	stream.indirect_vreg.gather @!p1 [hbm4b:s11+s14], $0x80, v3, vm1, $0xb8;
	[tilespmem:$0x1A000] =	vst v63  }
0x94: {  	_ =	swait.ge [sflag:s18], $0x4000  }
0x95: {  	[sflag:s18] =	ssyncset.done $0x0  }
0x96: {  	[sflag:s18] =	ssyncadd.s32 $0xFFFFC000  }
0x97: {  	_ =	swait.ge [sflag:s19], $0x4000  }
0x98: {  	s23 =	simm.s32 $0x0;
	s21 =	simm.s32 $0x0;
	[sflag:s19] =	ssyncset.done $0x0  }
0x99: {  	s1 =	simm.s32 @!p0 $0x6;
	s14 =	simm.s32 $0x0;
	[sflag:s19] =	ssyncadd.s32 $0xFFFFC000  }
0x9a: {  	s22 =	sand.u32 $0x1C00, s21;
	s4 =	sand.u32 $0x2000, s14;
	_ =	swait.ge @!p0 [sflag:s1], $0x4000  }
0x9b: {  	s24 =	sand.u32 $0x380, s23;
	s4 =	sor.u32 s22, s4;
	[sflag:s1] =	ssyncset.done @!p0 $0x0  }
0x9c: {  	s14 =	sor.u32 s24, s4;
	[sflag:s1] =	ssyncadd.s32 @!p0 $0xFFFFC000  }
0x9d: {  	v3 =	vld [tilespmem:s14+$0x6070]  }
0x9e: {  	v5 =	vld [tilespmem:s14+$0xE070]  }
0x9f: {  	v6 =	vld [tilespmem:s14+$0x6000]  }
0xa0: {  	v8 =	vld [tilespmem:s14+$0xE000]  }
0xa1: {  	v9 =	vld [tilespmem:s14+$0x6010]  }
0xa2: {  	v10 =	vld [tilespmem:s14+$0xE010]  }
0xa3: {  	v4 =	vld [tilespmem:s14+$0x6020]  }
0xa4: {  	v7 =	vld [tilespmem:s14+$0xE020];
	v5 =	vadd.f32 v5, v3  }
0xa5: {  	v8 =	vadd.f32 v8, v6;
	v3 =	vld [tilespmem:s14+$0x6030]  }
0xa6: {  	v6 =	vld [tilespmem:s14+$0xE030];
	[tilespmem:s14+$0x16070] =	vst v5  }
0xa7: {  	s22 =	simm.s32 $0x0;
	[tilespmem:s14+$0x16000] =	vst v8;
	v8 =	vadd.f32 v10, v9;
	v5 =	vld [tilespmem:s14+$0x6040]  }
.LBB2_5:
0xa8: {  	s22 =	sadd.s32 $0x8, s22;
	v9 =	vld [tilespmem:s14+$0xE040]  }
0xa9: {  	s21 =	sadd.s32 $0x400, s21;
	s1 =	sshll.u32 s22, $0x4;
	p0 =	slt.u32 s22, $0x3F8;
	[tilespmem:s14+$0x16010] =	vst v8;
	v4 =	vadd.f32 v7, v4;
	v7 =	vld [tilespmem:s14+$0x6050]  }
0xaa: {  	s4 =	sand.u32 $0x1C00, s21;
	s23 =	sshll.u32 s22, $0x1;
	s1 =	sand.u32 $0x2000, s1;
	v8 =	vld [tilespmem:s14+$0xE050]  }
0xab: {  	s1 =	sor.u32 s4, s1;
	s4 =	sand.u32 $0x380, s23;
	[tilespmem:s14+$0x16020] =	vst v4;
	v3 =	vadd.f32 v6, v3;
	v4 =	vld [tilespmem:s14+$0x6060]  }
0xac: {  	s1 =	sor.u32 s4, s1;
	v6 =	vld [tilespmem:s14+$0xE060]  }
0xad: {  	v10 =	vld [tilespmem:s1+$0x6070];
	[tilespmem:s14+$0x16030] =	vst v3;
	v3 =	vadd.f32 v9, v5  }
0xae: {  	v5 =	vld [tilespmem:s1+$0xE070]  }
0xaf: {  	v9 =	vld [tilespmem:s1+$0x6000];
	[tilespmem:s14+$0x16040] =	vst v3;
	v3 =	vadd.f32 v8, v7  }
0xb0: {  	v8 =	vld [tilespmem:s1+$0xE000]  }
0xb1: {  	v11 =	vld [tilespmem:s1+$0x6010];
	[tilespmem:s14+$0x16050] =	vst v3;
	v3 =	vadd.f32 v6, v4  }
0xb2: {  	v12 =	vld [tilespmem:s1+$0xE010]  }
.Ltmp1:
0xb3: {  	v4 =	vld [tilespmem:s1+$0x6020];
	v5 =	vadd.f32 v5, v10;
	[tilespmem:s14+$0x16060] =	vst v3;
	s14 =	smov.u32 s1;
	(pc) =	sbr.rel @p0 .LBB2_5-.Ltmp1, $4  }
0xb4: {  	v7 =	vld [tilespmem:s14+$0xE020]  }
0xb5: {  	v8 =	vadd.f32 v8, v9;
	v3 =	vld [tilespmem:s14+$0x6030];
	[tilespmem:s14+$0x16070] =	vst v5  }
0xb6: {  	v6 =	vld [tilespmem:s14+$0xE030]  }
0xb7: {  	[tilespmem:s14+$0x16000] =	vst v8;
	v8 =	vadd.f32 v12, v11;
	v5 =	vld [tilespmem:s14+$0x6040]  }
0xb8: {  	v9 =	vld [tilespmem:s14+$0xE040]  }
0xb9: {  	v10 =	vld [tilespmem:s14+$0x6050]  }
0xba: {  	v11 =	vld [tilespmem:s14+$0xE050]  }
0xbb: {  	v12 =	vld [tilespmem:s14+$0x6060]  }
0xbc: {  	v13 =	vld [tilespmem:s14+$0xE060]  }
0xbd: {  	v4 =	vadd.f32 v7, v4  }
0xbe: {  	s7 =	sadd.s32 $0x1, s7;
	[tilespmem:s14+$0x16010] =	vst v8;
	v3 =	vadd.f32 v6, v3  }
0xbf: {  	p0 =	sne.s32 s7, $0x20;
	[tilespmem:s14+$0x16020] =	vst v4;
	v62 =	vadd.f32 v9, v5  }
.Ltmp2:
0xc0: {  	[tilespmem:s14+$0x16030] =	vst v3;
	v3 =	vadd.f32 v11, v10;
	(pc) =	sbr.rel @p0 .LBB2_2-.Ltmp2, $4  }
0xc1: {  	v63 =	vadd.f32 v13, v12;
	[tilespmem:s14+$0x16040] =	vst v62  }
0xc2: {  	s1 =	rddreg [dreg:$0x3];
	[tilespmem:s14+$0x16050] =	vst v3  }
0xc3: {  	s1 =	sadd.s32 s1, s13;
	[tilespmem:s14+$0x16060] =	vst v63  }
0xc4: {  	[hbm4b:s1+s5] =	stream.linear.scatter [tilespmem:s20], [sflag:$0x6], $0x4000, $0x38;
	[tilespmem:$0x1A000] =	vst v63  }
0xc5: {  	s1 =	simm.s32 $0x5  }
0xc6: {  	_ =	swait.ge [sflag:s1], $0x4000  }
0xc7: {  	[sflag:s1] =	ssyncset.done $0x0  }
0xc8: {  	s4 =	simm.s32 $0x6;
	[sflag:s1] =	ssyncadd.s32 $0xFFFFC000  }
0xc9: {  	_ =	swait.ge [sflag:s4], $0x4000  }
0xca: {  	s7 =	rddreg [dreg:$0x7]  }
0xcb: {  	s24 =	rddreg [dreg:$0x6];
	s7 =	sadd.s32 $0x1, s7  }
0xcc: {  	p0 =	sne.s32 s7, s24  }
.Ltmp3:
0xcd: {  	_ = 	snop;
	(pc) =	sbr.rel @p0 .LBB2_1-.Ltmp3, $3  }
0xce: {  	_ =	sdelay $0x1  }
0xcf: {  	[sflag:s4] =	ssyncset.done $0x0  }
0xd0: {  	[sflag:s4] =	ssyncadd.s32 $0xFFFFC000  }
0xd1: {  	_ =	sfence.sel $0x180000  }
0xd2: {  	[bflag:$0x0] =	sbarrier.arrive $0xFFFF  }
0xd3: {  	_ =	strace $0x90000047  }
0xd4: {  	s0 =	stileid.u32;
	[bflag:$0x2] =	sbarrier.arrive $0xFFFF  }
0xd5: {  	p0 =	sne.s32 s0, $0x0;
	s0 =	rddreg [dreg:$0x4]  }
0xd6: {  	s0 =	sadd.s32 @!p0 $0x100000, s0  }
0xd7: {  	[sflag:s0] =	ssyncadd.tile.s32 @!p0 $0x1;
	_ =	shalt  }
.Lfunc_end2:
_tile_overlayer_lowered:
.L_overlay_start_2:
0xd8: {  	(tag) =	ssettag $0x2  }
0xd9: {  	s0 =	rddreg [dreg:$0x0];
	s2 =	stileid.u32  }
0xda: {  	s1 =	rddreg [dreg:$0x1];
	p0 =	sne.s32 s2, $0x0  }
0xdb: {  	s3 =	rddreg [dreg:$0x2];
	[bflag:$0x3] =	sbarrier.arrive $0xFFFF;
	s2 =	simm.s32 @!p0 $0x1C07  }
0xdc: {  	[timem:s3], [sflag:s2] =	dma.local @!p0 [hbm:s0], s1  }
0xdd: {  	s0 =	simm.s32 @!p0 $0x7  }
0xde: {  	_ =	swait.ge @!p0 [sflag:s0], s1  }
0xdf: {  	s1 =	ssub.s32 @!p0 $0x0, s1;
	[sflag:s0] =	ssyncset.done @!p0 $0x0  }
0xe0: {  	[sflag:s0] =	ssyncadd.s32 @!p0 s1  }
0xe1: {  	[bflag:$0x3] =	sbarrier.arrive $0xFFFF  }
0xe2: {  	_ =	shalt  }

</sc_bundles>
